<compile_context>
chip_gen: v7x
topology: tpu7x:2x2x1
jax: 0.10.2.dev20260603
libtpu: 0.0.44.dev20260713+nightly
codegen_flags: <defaults>
</compile_context>

<pallas_src>
import jax
import jax.numpy as jnp
from jax import lax
from jax.experimental import pallas as pl
from jax.experimental.pallas import tpu as pltpu
from jax.experimental.pallas import tpu_sc as plsc

_BATCH = 16384
_N_FIELDS = 26
_VOCAB = 100000
_EMB = 16

_NC = 2
_NS = 16
_NW = _NC * _NS
_L = 16

_TOTAL = _BATCH * _N_FIELDS
_ROWS_PER_W = _BATCH // _NW
_XPAD = 128
_PER_W = _TOTAL // _NW
_ROWS_PER_CHUNK = 64
_CHUNK = _ROWS_PER_CHUNK * _N_FIELDS
_N_CHUNKS = _ROWS_PER_W // _ROWS_PER_CHUNK
_DMAS_PER_CHUNK = 2 * _ROWS_PER_CHUNK


def _body(tab_hbm, x_hbm, out_hbm, idx_v, b0, b1, g0, g1, o0, o1):
    bufs = (b0, b1)
    gsems = (g0, g1)
    osems = (o0, o1)

    wid = lax.axis_index("s") * _NC + lax.axis_index("c")
    base = wid * _PER_W
    tab_flat = tab_hbm.at[0]

    pltpu.sync_copy(x_hbm.at[pl.ds(wid * _ROWS_PER_W, _ROWS_PER_W), :], idx_v)

    iota = lax.iota(jnp.int32, _L)
    pat_lo = iota * _VOCAB
    pat_hi = (iota + 10) * _VOCAB

    def fire_chunk(c, b):
        @pl.loop(0, _ROWS_PER_CHUNK)
        def _row(j):
            jg = c * _ROWS_PER_CHUNK + j
            v_lo = idx_v[jg, pl.ds(0, _L)] + pat_lo
            v_hi = idx_v[jg, pl.ds(_N_FIELDS - _L, _L)] + pat_hi
            pltpu.async_copy(
                tab_flat.at[v_lo],
                bufs[b].at[pl.ds(j * _N_FIELDS, _L), :], gsems[b])
            pltpu.async_copy(
                tab_flat.at[v_hi],
                bufs[b].at[pl.ds(j * _N_FIELDS + _N_FIELDS - _L, _L), :],
                gsems[b])

    def drain_chunk(b):
        @pl.loop(0, _DMAS_PER_CHUNK)
        def _w(k):
            pltpu.make_async_copy(
                tab_flat.at[pl.ds(0, _L), :],
                bufs[b].at[pl.ds(0, _L), :], gsems[b]).wait()

    def out_desc(c, b):
        dst = out_hbm.at[pl.ds(base + c * _CHUNK, _CHUNK), :]
        return pltpu.make_async_copy(bufs[b], dst, osems[b])

    @pl.loop(0, _N_CHUNKS // 2)
    def _chunks(i):
        c0 = 2 * i
        c1 = c0 + 1

        @pl.when(i > 0)
        def _():
            out_desc(c0, 0).wait()
            out_desc(c1, 1).wait()

        fire_chunk(c0, 0)
        fire_chunk(c1, 1)
        drain_chunk(0)
        out_desc(c0, 0).start()
        drain_chunk(1)
        out_desc(c1, 1).start()

    out_desc(_N_CHUNKS - 2, 0).wait()
    out_desc(_N_CHUNKS - 1, 1).wait()


_gather_call = pl.kernel(
    _body,
    out_type=jax.ShapeDtypeStruct((_TOTAL, _EMB), jnp.float32),
    mesh=plsc.VectorSubcoreMesh(core_axis_name="c", subcore_axis_name="s",
                                num_cores=_NC, num_subcores=_NS),
    scratch_types=(
        [pltpu.VMEM((_ROWS_PER_W, _XPAD), jnp.int32)]
        + [pltpu.VMEM((_CHUNK, _EMB), jnp.float32) for _ in range(2)]
        + [pltpu.SemaphoreType.DMA for _ in range(4)]
    ),
    compiler_params=pltpu.CompilerParams(use_tc_tiling_on_sc=False),
)


def kernel(x, tables):
    xp = jnp.pad(x.astype(jnp.int32), ((0, 0), (0, _XPAD - _N_FIELDS)))
    out = _gather_call(tables, xp)
    return out.reshape(_BATCH, _N_FIELDS * _EMB)

# --- scband reference (transcript-rebuilt; emitter-appended) ---
"""Pipeline reference for scband-embedding-generator-26173530702523 (READ-ONLY COPY).

The authoritative reference and input builder live on the scoring server;
editing this copy changes nothing except your own understanding.
"""

import jax, jax.numpy as jnp
import numpy as np

BATCH = 16384
N_FIELDS = 26
VOCAB = 100000
EMB_DIM = 16


def setup_inputs(seed: int = 0) -> dict:
    key = jax.random.key(seed)
    kx, kt = jax.random.split(key)
    x = jax.random.randint(kx, (BATCH, N_FIELDS), 0, VOCAB, dtype=jnp.int64 if jax.config.jax_enable_x64 else jnp.int32)
    # One embedding table per categorical field; all same shape, so stack them.
    tables = jax.random.normal(kt, (N_FIELDS, VOCAB, EMB_DIM), dtype=jnp.float32) * 0.02
    return {"x": x, "tables": tables}


def reference(x, tables):
    # Faithful translation of EmbeddingGenerator.forward: per-column embedding
    # lookup followed by concatenation along the feature axis.
    cols = []
    for feat_init_idx in range(N_FIELDS):
        idx = x[:, feat_init_idx]
        cols.append(jnp.take(tables[feat_init_idx], idx, axis=0))
    post_embeddings = jnp.concatenate(cols, axis=1)
    return post_embeddings

if __name__ == "__main__":
    import jax
    _d = setup_inputs()
    print(jax.jit(kernel)(*tuple(_d.values())))

</pallas_src>

<mosaic_0001>
#map = affine_map<(d0, d1) -> (0, 0, 0)>
#map1 = affine_map<(d0, d1) -> (0, 0)>
module attributes {stable_mosaic.version = 14 : i64} {
  func.func @_body(%arg0: i32, %arg1: i32, %arg2: memref<26x100000x16xf32, #tpu.memory_space<hbm>>, %arg3: memref<16384x128xi32, #tpu.memory_space<hbm>>, %arg4: memref<425984x16xf32, #tpu.memory_space<hbm>>, %arg5: memref<512x128xi32, #tpu.memory_space<vmem>>, %arg6: memref<1664x16xf32, #tpu.memory_space<vmem>>, %arg7: memref<1664x16xf32, #tpu.memory_space<vmem>>, %arg8: memref<!tpu.dma_semaphore, #tpu.memory_space<semaphore_mem>>, %arg9: memref<!tpu.dma_semaphore, #tpu.memory_space<semaphore_mem>>, %arg10: memref<!tpu.dma_semaphore, #tpu.memory_space<semaphore_mem>>, %arg11: memref<!tpu.dma_semaphore, #tpu.memory_space<semaphore_mem>>) attributes {dimension_semantics = [#tpu.dimension_semantics<core_parallel>, #tpu.dimension_semantics<subcore_parallel>], iteration_bounds = array<i64: 2, 16>, scalar_prefetch = 0 : i64, scratch_operands = 7 : i64, tpu.core_type = #tpu.core_type<sc_vector_subcore>, window_params = [{transform_indices = #map}, {transform_indices = #map1}, {transform_indices = #map1}]} {
    %mul3A = arith.constant 2 : i32
    %mul3A_0 = arith.muli %arg1, %mul3A : i32
    %add3A = arith.addi %mul3A_0, %arg0 : i32
    %mul3A_1 = arith.constant 13312 : i32
    %mul3A_2 = arith.muli %add3A, %mul3A_1 : i32
    %mul3A_3 = arith.constant 512 : i32
    %mul3A_4 = arith.muli %add3A, %mul3A_3 : i32
    "tpu.region"() ({
      %run_scoped3A = tpu.sem_alloc : memref<!tpu.dma_semaphore, #tpu.memory_space<semaphore_mem>>
      %dma_start3A = arith.constant 0 : i32
      %dma_start3A_30 = tpu.memref_slice %arg3[%mul3A_4, %dma_start3A] : memref<16384x128xi32, #tpu.memory_space<hbm>> -> memref<512x128xi32, #tpu.memory_space<hbm>>
      %dma_start3A_31 = arith.constant 0 : i32
      %dma_start3A_32 = tpu.memref_slice %arg3[%mul3A_4, %dma_start3A_31] : memref<16384x128xi32, #tpu.memory_space<hbm>> -> memref<512x128xi32, #tpu.memory_space<hbm>>
      tpu.enqueue_dma source(%dma_start3A_32 : memref<512x128xi32, #tpu.memory_space<hbm>>) target(%arg5 : memref<512x128xi32, #tpu.memory_space<vmem>>) target_semaphore(%run_scoped3A : memref<!tpu.dma_semaphore, #tpu.memory_space<semaphore_mem>>)
      %dma_wait3A_33 = arith.constant 0 : i32
      %dma_wait3A_34 = tpu.memref_slice %arg3[%mul3A_4, %dma_wait3A_33] : memref<16384x128xi32, #tpu.memory_space<hbm>> -> memref<512x128xi32, #tpu.memory_space<hbm>>
      %dma_wait3A_35 = arith.constant 0 : i32
      %dma_wait3A_36 = tpu.memref_slice %arg3[%mul3A_4, %dma_wait3A_35] : memref<16384x128xi32, #tpu.memory_space<hbm>> -> memref<512x128xi32, #tpu.memory_space<hbm>>
      tpu.wait_dma2 semaphore(%run_scoped3A : memref<!tpu.dma_semaphore, #tpu.memory_space<semaphore_mem>>) src(%dma_wait3A_36 : memref<512x128xi32, #tpu.memory_space<hbm>>) dst(%arg5 : memref<512x128xi32, #tpu.memory_space<vmem>>)
      tpu.yield
    }) : () -> ()
    %iota3A = tpu.iota {dimensions = array<i32: 0>} : vector<16xi32>
    %mul3A_5 = arith.constant 100000 : i32
    %mul3A_6 = vector.broadcast %mul3A_5 : i32 to vector<16xi32>
    %mul3A_7 = arith.muli %iota3A, %mul3A_6 : vector<16xi32>
    %add3A_8 = arith.constant 10 : i32
    %add3A_9 = vector.broadcast %add3A_8 : i32 to vector<16xi32>
    %add3A_10 = arith.addi %iota3A, %add3A_9 : vector<16xi32>
    %mul3A_11 = arith.constant 100000 : i32
    %mul3A_12 = vector.broadcast %mul3A_11 : i32 to vector<16xi32>
    %mul3A_13 = arith.muli %add3A_10, %mul3A_12 : vector<16xi32>
    %scan3A = arith.constant 0 : i32
    %scan3A_14 = arith.constant 0 : i32
    %scan3A_15 = arith.constant 4 : i32
    %scan3A_16 = arith.addi %scan3A_14, %scan3A_15 : i32
    %scan3A_17 = arith.constant 1 : i32
    scf.for %scan3A_30 = %scan3A_14 to %scan3A_16 step %scan3A_17  : i32 {
      %mul3A_31 = arith.constant 1 : i32
      %mul3A_32 = arith.muli %scan3A_30, %mul3A_31 : i32
      %add3A_33 = arith.constant 0 : i32
      %add3A_34 = arith.addi %add3A_33, %mul3A_32 : i32
      %mul3A_35 = arith.constant 2 : i32
      %mul3A_36 = arith.muli %mul3A_35, %add3A_34 : i32
      %add3A_37 = arith.constant 1 : i32
      %add3A_38 = arith.addi %mul3A_36, %add3A_37 : i32
      %gt3A = arith.constant 0 : i32
      %gt3A_39 = arith.cmpi sgt, %add3A_34, %gt3A : i32
      %convert_element_type3A = arith.extui %gt3A_39 : i1 to i32
      %cond3A = arith.constant 0 : i32
      %cond3A_40 = arith.cmpi ne, %convert_element_type3A, %cond3A : i32
      scf.if %cond3A_40 {
        %mul3A_74 = arith.constant 1664 : i32
        %mul3A_75 = arith.muli %mul3A_36, %mul3A_74 : i32
        %add3A_76 = arith.addi %mul3A_2, %mul3A_75 : i32
        %dma_wait3A_77 = arith.constant 0 : i32
        %dma_wait3A_78 = tpu.memref_slice %arg4[%add3A_76, %dma_wait3A_77] : memref<425984x16xf32, #tpu.memory_space<hbm>> -> memref<1664x16xf32, #tpu.memory_space<hbm>>
        %dma_wait3A_79 = arith.constant 0 : i32
        %dma_wait3A_80 = tpu.memref_slice %arg4[%add3A_76, %dma_wait3A_79] : memref<425984x16xf32, #tpu.memory_space<hbm>> -> memref<1664x16xf32, #tpu.memory_space<hbm>>
        tpu.wait_dma2 semaphore(%arg10 : memref<!tpu.dma_semaphore, #tpu.memory_space<semaphore_mem>>) src(%arg6 : memref<1664x16xf32, #tpu.memory_space<vmem>>) dst(%dma_wait3A_80 : memref<1664x16xf32, #tpu.memory_space<hbm>>)
        %mul3A_81 = arith.constant 1664 : i32
        %mul3A_82 = arith.muli %add3A_38, %mul3A_81 : i32
        %add3A_83 = arith.addi %mul3A_2, %mul3A_82 : i32
        %dma_wait3A_84 = arith.constant 0 : i32
        %dma_wait3A_85 = tpu.memref_slice %arg4[%add3A_83, %dma_wait3A_84] : memref<425984x16xf32, #tpu.memory_space<hbm>> -> memref<1664x16xf32, #tpu.memory_space<hbm>>
        %dma_wait3A_86 = arith.constant 0 : i32
        %dma_wait3A_87 = tpu.memref_slice %arg4[%add3A_83, %dma_wait3A_86] : memref<425984x16xf32, #tpu.memory_space<hbm>> -> memref<1664x16xf32, #tpu.memory_space<hbm>>
        tpu.wait_dma2 semaphore(%arg11 : memref<!tpu.dma_semaphore, #tpu.memory_space<semaphore_mem>>) src(%arg7 : memref<1664x16xf32, #tpu.memory_space<vmem>>) dst(%dma_wait3A_87 : memref<1664x16xf32, #tpu.memory_space<hbm>>)
      } else {
      }
      %scan3A_41 = arith.constant 0 : i32
      %scan3A_42 = arith.constant 64 : i32
      %scan3A_43 = arith.addi %scan3A_41, %scan3A_42 : i32
      %scan3A_44 = arith.constant 1 : i32
      scf.for %scan3A_74 = %scan3A_41 to %scan3A_43 step %scan3A_44  : i32 {
        %mul3A_75 = arith.constant 1 : i32
        %mul3A_76 = arith.muli %scan3A_74, %mul3A_75 : i32
        %add3A_77 = arith.constant 0 : i32
        %add3A_78 = arith.addi %add3A_77, %mul3A_76 : i32
        %mul3A_79 = arith.constant 64 : i32
        %mul3A_80 = arith.muli %mul3A_36, %mul3A_79 : i32
        %add3A_81 = arith.addi %mul3A_80, %add3A_78 : i32
        %get3A = arith.index_cast %add3A_81 : i32 to index
        %get3A_82 = arith.constant 0 : index
        %get3A_83 = tpu.vector_load %arg5[%get3A, %get3A_82] {strides = array<i32>} : memref<512x128xi32, #tpu.memory_space<vmem>>, vector<1x16xi32>,
        %get3A_84 = vector.shape_cast %get3A_83 : vector<1x16xi32> to vector<16xi32>
        %add3A_85 = arith.addi %get3A_84, %mul3A_7 : vector<16xi32>
        %get3A_86 = arith.index_cast %add3A_81 : i32 to index
        %get3A_87 = arith.constant 10 : index
        %get3A_88 = tpu.vector_load %arg5[%get3A_86, %get3A_87] {strides = array<i32>} : memref<512x128xi32, #tpu.memory_space<vmem>>, vector<1x16xi32>,
        %get3A_89 = vector.shape_cast %get3A_88 : vector<1x16xi32> to vector<16xi32>
        %add3A_90 = arith.addi %get3A_89, %mul3A_13 : vector<16xi32>
        %mul3A_91 = arith.constant 26 : i32
        %mul3A_92 = arith.muli %add3A_78, %mul3A_91 : i32
        %dma_start3A_93 = arith.constant 0 : i32
        %dma_start3A_94 = tpu.memref_slice %arg6[%mul3A_92, %dma_start3A_93] : memref<1664x16xf32, #tpu.memory_space<vmem>> -> memref<16x16xf32, #tpu.memory_space<vmem>>
        %dma_start3A_95 = arith.constant 0 : i32
        %dma_start3A_96 = arith.constant 0 : i32
        %dma_start3A_97 = tpu.memref_slice %arg2[%scan3A, %dma_start3A_95, %dma_start3A_96] : memref<26x100000x16xf32, #tpu.memory_space<hbm>> -> memref<1x100000x16xf32, #tpu.memory_space<hbm>>
        %dma_start3A_98 = tpu.memref_squeeze %dma_start3A_97 : memref<1x100000x16xf32, #tpu.memory_space<hbm>> -> memref<100000x16xf32, #tpu.memory_space<hbm>>
        %dma_start3A_99 = arith.constant 0 : i32
        %dma_start3A_100 = arith.constant 0 : i32
        %dma_start3A_101 = tpu.memref_slice %dma_start3A_98[%dma_start3A_99, %dma_start3A_100] : memref<100000x16xf32, #tpu.memory_space<hbm>> -> memref<100000x16xf32, #tpu.memory_space<hbm>>
        tpu.enqueue_indirect_dma source(%dma_start3A_101 : memref<100000x16xf32, #tpu.memory_space<hbm>>) target(%dma_start3A_94 : memref<16x16xf32, #tpu.memory_space<vmem>>) offsets(%add3A_85 : vector<16xi32>) semaphore(%arg8 : memref<!tpu.dma_semaphore, #tpu.memory_space<semaphore_mem>>)
        %mul3A_102 = arith.constant 26 : i32
        %mul3A_103 = arith.muli %add3A_78, %mul3A_102 : i32
        %add3A_104 = arith.constant 26 : i32
        %add3A_105 = arith.addi %mul3A_103, %add3A_104 : i32
        %sub3A = arith.constant 16 : i32
        %sub3A_106 = arith.subi %add3A_105, %sub3A : i32
        %dma_start3A_107 = arith.constant 0 : i32
        %dma_start3A_108 = tpu.memref_slice %arg6[%sub3A_106, %dma_start3A_107] : memref<1664x16xf32, #tpu.memory_space<vmem>> -> memref<16x16xf32, #tpu.memory_space<vmem>>
        %dma_start3A_109 = arith.constant 0 : i32
        %dma_start3A_110 = arith.constant 0 : i32
        %dma_start3A_111 = tpu.memref_slice %arg2[%scan3A, %dma_start3A_109, %dma_start3A_110] : memref<26x100000x16xf32, #tpu.memory_space<hbm>> -> memref<1x100000x16xf32, #tpu.memory_space<hbm>>
        %dma_start3A_112 = tpu.memref_squeeze %dma_start3A_111 : memref<1x100000x16xf32, #tpu.memory_space<hbm>> -> memref<100000x16xf32, #tpu.memory_space<hbm>>
        %dma_start3A_113 = arith.constant 0 : i32
        %dma_start3A_114 = arith.constant 0 : i32
        %dma_start3A_115 = tpu.memref_slice %dma_start3A_112[%dma_start3A_113, %dma_start3A_114] : memref<100000x16xf32, #tpu.memory_space<hbm>> -> memref<100000x16xf32, #tpu.memory_space<hbm>>
        tpu.enqueue_indirect_dma source(%dma_start3A_115 : memref<100000x16xf32, #tpu.memory_space<hbm>>) target(%dma_start3A_108 : memref<16x16xf32, #tpu.memory_space<vmem>>) offsets(%add3A_90 : vector<16xi32>) semaphore(%arg8 : memref<!tpu.dma_semaphore, #tpu.memory_space<semaphore_mem>>)
      }
      %scan3A_45 = arith.constant 64 : i32
      %scan3A_46 = arith.constant 0 : i32
      %scan3A_47 = arith.constant 64 : i32
      %scan3A_48 = arith.addi %scan3A_46, %scan3A_47 : i32
      %scan3A_49 = arith.constant 1 : i32
      scf.for %scan3A_74 = %scan3A_46 to %scan3A_48 step %scan3A_49  : i32 {
        %mul3A_75 = arith.constant 1 : i32
        %mul3A_76 = arith.muli %scan3A_74, %mul3A_75 : i32
        %add3A_77 = arith.constant 0 : i32
        %add3A_78 = arith.addi %add3A_77, %mul3A_76 : i32
        %mul3A_79 = arith.constant 64 : i32
        %mul3A_80 = arith.muli %add3A_38, %mul3A_79 : i32
        %add3A_81 = arith.addi %mul3A_80, %add3A_78 : i32
        %get3A = arith.index_cast %add3A_81 : i32 to index
        %get3A_82 = arith.constant 0 : index
        %get3A_83 = tpu.vector_load %arg5[%get3A, %get3A_82] {strides = array<i32>} : memref<512x128xi32, #tpu.memory_space<vmem>>, vector<1x16xi32>,
        %get3A_84 = vector.shape_cast %get3A_83 : vector<1x16xi32> to vector<16xi32>
        %add3A_85 = arith.addi %get3A_84, %mul3A_7 : vector<16xi32>
        %get3A_86 = arith.index_cast %add3A_81 : i32 to index
        %get3A_87 = arith.constant 10 : index
        %get3A_88 = tpu.vector_load %arg5[%get3A_86, %get3A_87] {strides = array<i32>} : memref<512x128xi32, #tpu.memory_space<vmem>>, vector<1x16xi32>,
        %get3A_89 = vector.shape_cast %get3A_88 : vector<1x16xi32> to vector<16xi32>
        %add3A_90 = arith.addi %get3A_89, %mul3A_13 : vector<16xi32>
        %mul3A_91 = arith.constant 26 : i32
        %mul3A_92 = arith.muli %add3A_78, %mul3A_91 : i32
        %dma_start3A_93 = arith.constant 0 : i32
        %dma_start3A_94 = tpu.memref_slice %arg7[%mul3A_92, %dma_start3A_93] : memref<1664x16xf32, #tpu.memory_space<vmem>> -> memref<16x16xf32, #tpu.memory_space<vmem>>
        %dma_start3A_95 = arith.constant 0 : i32
        %dma_start3A_96 = arith.constant 0 : i32
        %dma_start3A_97 = tpu.memref_slice %arg2[%scan3A, %dma_start3A_95, %dma_start3A_96] : memref<26x100000x16xf32, #tpu.memory_space<hbm>> -> memref<1x100000x16xf32, #tpu.memory_space<hbm>>
        %dma_start3A_98 = tpu.memref_squeeze %dma_start3A_97 : memref<1x100000x16xf32, #tpu.memory_space<hbm>> -> memref<100000x16xf32, #tpu.memory_space<hbm>>
        %dma_start3A_99 = arith.constant 0 : i32
        %dma_start3A_100 = arith.constant 0 : i32
        %dma_start3A_101 = tpu.memref_slice %dma_start3A_98[%dma_start3A_99, %dma_start3A_100] : memref<100000x16xf32, #tpu.memory_space<hbm>> -> memref<100000x16xf32, #tpu.memory_space<hbm>>
        tpu.enqueue_indirect_dma source(%dma_start3A_101 : memref<100000x16xf32, #tpu.memory_space<hbm>>) target(%dma_start3A_94 : memref<16x16xf32, #tpu.memory_space<vmem>>) offsets(%add3A_85 : vector<16xi32>) semaphore(%arg9 : memref<!tpu.dma_semaphore, #tpu.memory_space<semaphore_mem>>)
        %mul3A_102 = arith.constant 26 : i32
        %mul3A_103 = arith.muli %add3A_78, %mul3A_102 : i32
        %add3A_104 = arith.constant 26 : i32
        %add3A_105 = arith.addi %mul3A_103, %add3A_104 : i32
        %sub3A = arith.constant 16 : i32
        %sub3A_106 = arith.subi %add3A_105, %sub3A : i32
        %dma_start3A_107 = arith.constant 0 : i32
        %dma_start3A_108 = tpu.memref_slice %arg7[%sub3A_106, %dma_start3A_107] : memref<1664x16xf32, #tpu.memory_space<vmem>> -> memref<16x16xf32, #tpu.memory_space<vmem>>
        %dma_start3A_109 = arith.constant 0 : i32
        %dma_start3A_110 = arith.constant 0 : i32
        %dma_start3A_111 = tpu.memref_slice %arg2[%scan3A, %dma_start3A_109, %dma_start3A_110] : memref<26x100000x16xf32, #tpu.memory_space<hbm>> -> memref<1x100000x16xf32, #tpu.memory_space<hbm>>
        %dma_start3A_112 = tpu.memref_squeeze %dma_start3A_111 : memref<1x100000x16xf32, #tpu.memory_space<hbm>> -> memref<100000x16xf32, #tpu.memory_space<hbm>>
        %dma_start3A_113 = arith.constant 0 : i32
        %dma_start3A_114 = arith.constant 0 : i32
        %dma_start3A_115 = tpu.memref_slice %dma_start3A_112[%dma_start3A_113, %dma_start3A_114] : memref<100000x16xf32, #tpu.memory_space<hbm>> -> memref<100000x16xf32, #tpu.memory_space<hbm>>
        tpu.enqueue_indirect_dma source(%dma_start3A_115 : memref<100000x16xf32, #tpu.memory_space<hbm>>) target(%dma_start3A_108 : memref<16x16xf32, #tpu.memory_space<vmem>>) offsets(%add3A_90 : vector<16xi32>) semaphore(%arg9 : memref<!tpu.dma_semaphore, #tpu.memory_space<semaphore_mem>>)
      }
      %scan3A_50 = arith.constant 64 : i32
      %scan3A_51 = arith.constant 0 : i32
      %scan3A_52 = arith.constant 128 : i32
      %scan3A_53 = arith.addi %scan3A_51, %scan3A_52 : i32
      %scan3A_54 = arith.constant 1 : i32
      scf.for %scan3A_74 = %scan3A_51 to %scan3A_53 step %scan3A_54  : i32 {
        %mul3A_75 = arith.constant 1 : i32
        %mul3A_76 = arith.muli %scan3A_74, %mul3A_75 : i32
        %add3A_77 = arith.constant 0 : i32
        %add3A_78 = arith.addi %add3A_77, %mul3A_76 : i32
        %dma_wait3A_79 = arith.constant 0 : i32
        %dma_wait3A_80 = arith.constant 0 : i32
        %dma_wait3A_81 = tpu.memref_slice %arg6[%dma_wait3A_79, %dma_wait3A_80] : memref<1664x16xf32, #tpu.memory_space<vmem>> -> memref<16x16xf32, #tpu.memory_space<vmem>>
        %dma_wait3A_82 = arith.constant 0 : i32
        %dma_wait3A_83 = arith.constant 0 : i32
        %dma_wait3A_84 = tpu.memref_slice %arg2[%scan3A, %dma_wait3A_82, %dma_wait3A_83] : memref<26x100000x16xf32, #tpu.memory_space<hbm>> -> memref<1x100000x16xf32, #tpu.memory_space<hbm>>
        %dma_wait3A_85 = tpu.memref_squeeze %dma_wait3A_84 : memref<1x100000x16xf32, #tpu.memory_space<hbm>> -> memref<100000x16xf32, #tpu.memory_space<hbm>>
        %dma_wait3A_86 = arith.constant 0 : i32
        %dma_wait3A_87 = arith.constant 0 : i32
        %dma_wait3A_88 = tpu.memref_slice %dma_wait3A_85[%dma_wait3A_86, %dma_wait3A_87] : memref<100000x16xf32, #tpu.memory_space<hbm>> -> memref<16x16xf32, #tpu.memory_space<hbm>>
        %dma_wait3A_89 = arith.constant 0 : i32
        %dma_wait3A_90 = arith.constant 0 : i32
        %dma_wait3A_91 = tpu.memref_slice %arg6[%dma_wait3A_89, %dma_wait3A_90] : memref<1664x16xf32, #tpu.memory_space<vmem>> -> memref<16x16xf32, #tpu.memory_space<vmem>>
        %dma_wait3A_92 = arith.constant 0 : i32
        %dma_wait3A_93 = arith.constant 0 : i32
        %dma_wait3A_94 = tpu.memref_slice %arg2[%scan3A, %dma_wait3A_92, %dma_wait3A_93] : memref<26x100000x16xf32, #tpu.memory_space<hbm>> -> memref<1x100000x16xf32, #tpu.memory_space<hbm>>
        %dma_wait3A_95 = tpu.memref_squeeze %dma_wait3A_94 : memref<1x100000x16xf32, #tpu.memory_space<hbm>> -> memref<100000x16xf32, #tpu.memory_space<hbm>>
        %dma_wait3A_96 = arith.constant 0 : i32
        %dma_wait3A_97 = arith.constant 0 : i32
        %dma_wait3A_98 = tpu.memref_slice %dma_wait3A_95[%dma_wait3A_96, %dma_wait3A_97] : memref<100000x16xf32, #tpu.memory_space<hbm>> -> memref<16x16xf32, #tpu.memory_space<hbm>>
        tpu.wait_dma2 semaphore(%arg8 : memref<!tpu.dma_semaphore, #tpu.memory_space<semaphore_mem>>) src(%dma_wait3A_98 : memref<16x16xf32, #tpu.memory_space<hbm>>) dst(%dma_wait3A_91 : memref<16x16xf32, #tpu.memory_space<vmem>>)
      }
      %scan3A_55 = arith.constant 128 : i32
      %mul3A_56 = arith.constant 1664 : i32
      %mul3A_57 = arith.muli %mul3A_36, %mul3A_56 : i32
      %add3A_58 = arith.addi %mul3A_2, %mul3A_57 : i32
      %dma_start3A = arith.constant 0 : i32
      %dma_start3A_59 = tpu.memref_slice %arg4[%add3A_58, %dma_start3A] : memref<425984x16xf32, #tpu.memory_space<hbm>> -> memref<1664x16xf32, #tpu.memory_space<hbm>>
      %dma_start3A_60 = arith.constant 0 : i32
      %dma_start3A_61 = tpu.memref_slice %arg4[%add3A_58, %dma_start3A_60] : memref<425984x16xf32, #tpu.memory_space<hbm>> -> memref<1664x16xf32, #tpu.memory_space<hbm>>
      tpu.enqueue_dma source(%arg6 : memref<1664x16xf32, #tpu.memory_space<vmem>>) target(%dma_start3A_61 : memref<1664x16xf32, #tpu.memory_space<hbm>>) target_semaphore(%arg10 : memref<!tpu.dma_semaphore, #tpu.memory_space<semaphore_mem>>)
      %scan3A_62 = arith.constant 0 : i32
      %scan3A_63 = arith.constant 128 : i32
      %scan3A_64 = arith.addi %scan3A_62, %scan3A_63 : i32
      %scan3A_65 = arith.constant 1 : i32
      scf.for %scan3A_74 = %scan3A_62 to %scan3A_64 step %scan3A_65  : i32 {
        %mul3A_75 = arith.constant 1 : i32
        %mul3A_76 = arith.muli %scan3A_74, %mul3A_75 : i32
        %add3A_77 = arith.constant 0 : i32
        %add3A_78 = arith.addi %add3A_77, %mul3A_76 : i32
        %dma_wait3A_79 = arith.constant 0 : i32
        %dma_wait3A_80 = arith.constant 0 : i32
        %dma_wait3A_81 = tpu.memref_slice %arg7[%dma_wait3A_79, %dma_wait3A_80] : memref<1664x16xf32, #tpu.memory_space<vmem>> -> memref<16x16xf32, #tpu.memory_space<vmem>>
        %dma_wait3A_82 = arith.constant 0 : i32
        %dma_wait3A_83 = arith.constant 0 : i32
        %dma_wait3A_84 = tpu.memref_slice %arg2[%scan3A, %dma_wait3A_82, %dma_wait3A_83] : memref<26x100000x16xf32, #tpu.memory_space<hbm>> -> memref<1x100000x16xf32, #tpu.memory_space<hbm>>
        %dma_wait3A_85 = tpu.memref_squeeze %dma_wait3A_84 : memref<1x100000x16xf32, #tpu.memory_space<hbm>> -> memref<100000x16xf32, #tpu.memory_space<hbm>>
        %dma_wait3A_86 = arith.constant 0 : i32
        %dma_wait3A_87 = arith.constant 0 : i32
        %dma_wait3A_88 = tpu.memref_slice %dma_wait3A_85[%dma_wait3A_86, %dma_wait3A_87] : memref<100000x16xf32, #tpu.memory_space<hbm>> -> memref<16x16xf32, #tpu.memory_space<hbm>>
        %dma_wait3A_89 = arith.constant 0 : i32
        %dma_wait3A_90 = arith.constant 0 : i32
        %dma_wait3A_91 = tpu.memref_slice %arg7[%dma_wait3A_89, %dma_wait3A_90] : memref<1664x16xf32, #tpu.memory_space<vmem>> -> memref<16x16xf32, #tpu.memory_space<vmem>>
        %dma_wait3A_92 = arith.constant 0 : i32
        %dma_wait3A_93 = arith.constant 0 : i32
        %dma_wait3A_94 = tpu.memref_slice %arg2[%scan3A, %dma_wait3A_92, %dma_wait3A_93] : memref<26x100000x16xf32, #tpu.memory_space<hbm>> -> memref<1x100000x16xf32, #tpu.memory_space<hbm>>
        %dma_wait3A_95 = tpu.memref_squeeze %dma_wait3A_94 : memref<1x100000x16xf32, #tpu.memory_space<hbm>> -> memref<100000x16xf32, #tpu.memory_space<hbm>>
        %dma_wait3A_96 = arith.constant 0 : i32
        %dma_wait3A_97 = arith.constant 0 : i32
        %dma_wait3A_98 = tpu.memref_slice %dma_wait3A_95[%dma_wait3A_96, %dma_wait3A_97] : memref<100000x16xf32, #tpu.memory_space<hbm>> -> memref<16x16xf32, #tpu.memory_space<hbm>>
        tpu.wait_dma2 semaphore(%arg9 : memref<!tpu.dma_semaphore, #tpu.memory_space<semaphore_mem>>) src(%dma_wait3A_98 : memref<16x16xf32, #tpu.memory_space<hbm>>) dst(%dma_wait3A_91 : memref<16x16xf32, #tpu.memory_space<vmem>>)
      }
      %scan3A_66 = arith.constant 128 : i32
      %mul3A_67 = arith.constant 1664 : i32
      %mul3A_68 = arith.muli %add3A_38, %mul3A_67 : i32
      %add3A_69 = arith.addi %mul3A_2, %mul3A_68 : i32
      %dma_start3A_70 = arith.constant 0 : i32
      %dma_start3A_71 = tpu.memref_slice %arg4[%add3A_69, %dma_start3A_70] : memref<425984x16xf32, #tpu.memory_space<hbm>> -> memref<1664x16xf32, #tpu.memory_space<hbm>>
      %dma_start3A_72 = arith.constant 0 : i32
      %dma_start3A_73 = tpu.memref_slice %arg4[%add3A_69, %dma_start3A_72] : memref<425984x16xf32, #tpu.memory_space<hbm>> -> memref<1664x16xf32, #tpu.memory_space<hbm>>
      tpu.enqueue_dma source(%arg7 : memref<1664x16xf32, #tpu.memory_space<vmem>>) target(%dma_start3A_73 : memref<1664x16xf32, #tpu.memory_space<hbm>>) target_semaphore(%arg11 : memref<!tpu.dma_semaphore, #tpu.memory_space<semaphore_mem>>)
    }
    %scan3A_18 = arith.constant 4 : i32
    %add3A_19 = arith.constant 9984 : i32
    %add3A_20 = arith.addi %mul3A_2, %add3A_19 : i32
    %dma_wait3A = arith.constant 0 : i32
    %dma_wait3A_21 = tpu.memref_slice %arg4[%add3A_20, %dma_wait3A] : memref<425984x16xf32, #tpu.memory_space<hbm>> -> memref<1664x16xf32, #tpu.memory_space<hbm>>
    %dma_wait3A_22 = arith.constant 0 : i32
    %dma_wait3A_23 = tpu.memref_slice %arg4[%add3A_20, %dma_wait3A_22] : memref<425984x16xf32, #tpu.memory_space<hbm>> -> memref<1664x16xf32, #tpu.memory_space<hbm>>
    tpu.wait_dma2 semaphore(%arg10 : memref<!tpu.dma_semaphore, #tpu.memory_space<semaphore_mem>>) src(%arg6 : memref<1664x16xf32, #tpu.memory_space<vmem>>) dst(%dma_wait3A_23 : memref<1664x16xf32, #tpu.memory_space<hbm>>)
    %add3A_24 = arith.constant 11648 : i32
    %add3A_25 = arith.addi %mul3A_2, %add3A_24 : i32
    %dma_wait3A_26 = arith.constant 0 : i32
    %dma_wait3A_27 = tpu.memref_slice %arg4[%add3A_25, %dma_wait3A_26] : memref<425984x16xf32, #tpu.memory_space<hbm>> -> memref<1664x16xf32, #tpu.memory_space<hbm>>
    %dma_wait3A_28 = arith.constant 0 : i32
    %dma_wait3A_29 = tpu.memref_slice %arg4[%add3A_25, %dma_wait3A_28] : memref<425984x16xf32, #tpu.memory_space<hbm>> -> memref<1664x16xf32, #tpu.memory_space<hbm>>
    tpu.wait_dma2 semaphore(%arg11 : memref<!tpu.dma_semaphore, #tpu.memory_space<semaphore_mem>>) src(%arg7 : memref<1664x16xf32, #tpu.memory_space<vmem>>) dst(%dma_wait3A_29 : memref<1664x16xf32, #tpu.memory_space<hbm>>)
    return
  }
}

</mosaic_0001>

<sc_bundles>
// kernel: kernel.3.cloned.1.call-start
scs
__scs_entry_jumppad:
0x0: {  	(pc) =	sbr.rel $0x88, $3  }
0x1: {  	(tag) =	ssettag $0x0;
	lr =	simm.s32 $0x1  }
0x2: {  	[smem:$0x3F9F] =	sst lr;
	_ =	strace $0xD0000000  }
0x3: {  	_ = 	snop  }
0x4: {  	_ = 	snop  }
0x5: {  	_ = 	snop  }
0x6: {  	_ = 	snop  }
0x7: {  	_ = 	snop  }
__scs_overlays_trampoline_lowered:
0x8: {  	[smem:$0x3FAE] =	sst s0  }
0x9: {  	[smem:$0x3FAF] =	sst s1  }
0xa: {  	[smem:$0x3FB0] =	sst s2  }
0xb: {  	[smem:$0x3FB1] =	sst s3  }
0xc: {  	[smem:$0x3FB2] =	sst s4  }
0xd: {  	[smem:$0x3FB3] =	sst s5  }
0xe: {  	[smem:$0x3FB4] =	sst s6  }
0xf: {  	[smem:$0x3FB5] =	sst s7  }
0x10: {  	[smem:$0x3FB6] =	sst s8  }
0x11: {  	[smem:$0x3FB7] =	sst s9;
	s0 =	simm.s32 @!p0 $0x0  }
0x12: {  	s1 =	sld [smem:$0x3F9D];
	s0 =	simm.s32 @p0 $0x1  }
0x13: {  	[smem:$0x3FB8] =	sst s0;
	s0 =	simm.s32 @!p1 $0x0  }
0x14: {  	s2 =	sld [smem:$0x3F9C];
	s0 =	simm.s32 @p1 $0x1  }
0x15: {  	[smem:$0x3FB9] =	sst s0;
	s0 =	simm.s32 @!p2 $0x0  }
0x16: {  	s3 =	sld [smem:$0x3FDB];
	s0 =	simm.s32 @p2 $0x1  }
0x17: {  	s4 =	simm.s32 $0x1BF5;
	[smem:$0x3FBB] =	sst s0  }
0x18: {  	s0 =	sld [smem:$0x3F9E];
	_ =	swait.ge [sflag:s4], $0x0  }
0x19: {  	s7 =	sld [smem:$0x3F9F]  }
0x1a: {  	s8 =	sadd.s32 $0xFFFFE003, lr  }
0x1b: {  	s9 =	sadd.s32 $0xFFFFFEF7, lr;
	s5 =	simm.s32 $0xFFFFFFFF;
	p2 =	slt.u32 s8, $0xFFFFF086  }
0x1c: {  	p1 =	slt.u32 s9, $0xF7A;
	s5 =	simm.s32 @!p2 $0x0  }
0x1d: {  	s5 =	simm.s32 @p1 $0x1;
	p0 =	seq.s32 s7, s2  }
0x1e: {  	s7 =	smul.u32 @!p0 $0xF7A, s2;
	p2 =	seq.s32 @!p0 s5, $0x0  }
0x1f: {  	s9 =	smul.u32 $0xF7A, s1;
	s8 =	simm.s32 @!p0 $0x1BF5;
	p2 =	por !p2, p0  }
0x20: {  	[sflag:s8] =	ssyncset.s32 @!p0 $0xFFFFF086;
	s6 =	sadd.s32 @!p0 s3, s7;
	s7 =	simm.s32 @!p0 $0x108  }
0x21: {  	s3 =	sadd.s32 s3, s9;
	s6 =	sadd.s32 @!p0 $0x88, s6;
	s7 =	simm.s32 @p2 $0x1082  }
0x22: {  	[simem:s7], [sflag:s8] =	dma.local @!p0 [hbm:s6], $0xF7A  }
0x23: {  	s9 =	sor.u32 $0xD0000000, s2;
	s6 =	simm.s32 $0x108;
	_ =	swait.ge @!p0 [sflag:s8], $0x0  }
0x24: {  	s3 =	sadd.s32 $0x88, s3;
	s6 =	simm.s32 @!p1 $0x1082;
	[sflag:s4] =	ssyncset.s32 $0xFFFFF086  }
0x25: {  	[simem:s6], [sflag:s4] =	dma.local [hbm:s3], $0xF7A  }
0x26: {  	[smem:$0x3F9F] =	sst s1;
	(tag) =	ssettag s2;
	_ =	strace s9  }
0x27: {  	s1 =	sld [smem:$0x3FAF]  }
0x28: {  	s2 =	sld [smem:$0x3FB0]  }
0x29: {  	s4 =	sld [smem:$0x3FB2]  }
0x2a: {  	p0 =	seq.s32 s5, $0x0;
	s5 =	sld [smem:$0x3FB3]  }
0x2b: {  	s6 =	sld [smem:$0x3FB4]  }
0x2c: {  	s7 =	sld [smem:$0x3FB5]  }
0x2d: {  	s3 =	simm.s32 $0x108;
	s8 =	sld [smem:$0x3FB6]  }
0x2e: {  	s3 =	simm.s32 @!p0 $0x1082;
	s9 =	sld [smem:$0x3FB7]  }
0x2f: {  	lr =	sadd.s32 s0, s3;
	s0 =	sld [smem:$0x3FAE]  }
0x30: {  	s3 =	sld [smem:$0x3FB1]  }
0x31: {  	[smem:$0x3FBA] =	sst s10  }
0x32: {  	s10 =	sld [smem:$0x3FB8];
	_ =	sdelay $0x3  }
0x33: {  	p0 =	seq.s32 s10, $0x1;
	s10 =	sld [smem:$0x3FBA];
	_ =	sdelay $0x3  }
0x34: {  	[smem:$0x3FBA] =	sst s10  }
0x35: {  	s10 =	sld [smem:$0x3FB9];
	_ =	sdelay $0x3  }
0x36: {  	p1 =	seq.s32 s10, $0x1;
	s10 =	sld [smem:$0x3FBA];
	_ =	sdelay $0x3  }
0x37: {  	[smem:$0x3FBA] =	sst s10  }
0x38: {  	s10 =	sld [smem:$0x3FBB]  }
0x39: {  	_ = 	snop;
	(pc) =	sbr.ind lr, $3  }
0x3a: {  	_ = 	snop  }
0x3b: {  	_ = 	snop  }
0x3c: {  	p2 =	seq.s32 s10, $0x1;
	s10 =	sld [smem:$0x3FBA]  }
0x3d: {  	_ =	shalt  }
0x3e: {  	_ =	shalt  }
0x3f: {  	_ =	shalt  }
0x40: {  	_ =	shalt  }
0x41: {  	_ =	shalt  }
0x42: {  	_ =	shalt  }
0x43: {  	_ =	shalt  }
0x44: {  	_ =	shalt  }
0x45: {  	_ =	shalt  }
0x46: {  	_ =	shalt  }
0x47: {  	_ =	shalt  }
0x48: {  	_ =	shalt  }
0x49: {  	_ =	shalt  }
0x4a: {  	_ =	shalt  }
0x4b: {  	_ =	shalt  }
0x4c: {  	_ =	shalt  }
0x4d: {  	_ =	shalt  }
0x4e: {  	_ =	shalt  }
0x4f: {  	_ =	shalt  }
0x50: {  	_ =	shalt  }
0x51: {  	_ =	shalt  }
0x52: {  	_ =	shalt  }
0x53: {  	_ =	shalt  }
0x54: {  	_ =	shalt  }
0x55: {  	_ =	shalt  }
0x56: {  	_ =	shalt  }
0x57: {  	_ =	shalt  }
0x58: {  	_ =	shalt  }
0x59: {  	_ =	shalt  }
0x5a: {  	_ =	shalt  }
0x5b: {  	_ =	shalt  }
0x5c: {  	_ =	shalt  }
0x5d: {  	_ =	shalt  }
0x5e: {  	_ =	shalt  }
0x5f: {  	_ =	shalt  }
0x60: {  	_ =	shalt  }
0x61: {  	_ =	shalt  }
0x62: {  	_ =	shalt  }
0x63: {  	_ =	shalt  }
0x64: {  	_ =	shalt  }
0x65: {  	_ =	shalt  }
0x66: {  	_ =	shalt  }
0x67: {  	_ =	shalt  }
0x68: {  	_ =	shalt  }
0x69: {  	_ =	shalt  }
0x6a: {  	_ =	shalt  }
0x6b: {  	_ =	shalt  }
0x6c: {  	_ =	shalt  }
0x6d: {  	_ =	shalt  }
0x6e: {  	_ =	shalt  }
0x6f: {  	_ =	shalt  }
0x70: {  	_ =	shalt  }
0x71: {  	_ =	shalt  }
0x72: {  	_ =	shalt  }
0x73: {  	_ =	shalt  }
0x74: {  	_ =	shalt  }
0x75: {  	_ =	shalt  }
0x76: {  	_ =	shalt  }
0x77: {  	_ =	shalt  }
0x78: {  	_ =	shalt  }
0x79: {  	_ =	shalt  }
0x7a: {  	_ =	shalt  }
0x7b: {  	_ =	shalt  }
0x7c: {  	_ =	shalt  }
0x7d: {  	_ =	shalt  }
0x7e: {  	_ =	shalt  }
0x7f: {  	_ =	shalt  }
0x80: {  	_ =	shalt  }
0x81: {  	_ =	shalt  }
0x82: {  	_ =	shalt  }
0x83: {  	_ =	shalt  }
0x84: {  	_ =	shalt  }
0x85: {  	_ =	shalt  }
0x86: {  	_ =	shalt  }
0x87: {  	_ =	shalt  }
.Lfunc_end0:
.L_simem_size_0:
called_computation_lowered:
.L_overlay_start_0:
0x88: {  	s2 =	sld [smem:$0x3FD9]  }
0x89: {  	s3 =	sld [smem:$0x3FFE];
	_ =	sdelay $0x1  }
0x8a: {  	s1 =	srdreg.scid  }
0x8b: {  	s0 =	sand.u32 $0x1, s1  }
0x8c: {  	s17 =	sshll.u32 s0, $0xA;
	s2 =	sadd.s32 s3, s2  }
0x8d: {  	s2 =	sadd.s32 s2, s17  }
0x8e: {  	[smem:$0x3FC6] =	sst s2  }
0x8f: {  	_ = 	snop  }
0x90: {  	s2 =	sld [smem:$0x3FD0];
	(tm) =	ssettm $0x1  }
0x91: {  	s18 =	sld [smem:$0x3FFB];
	_ =	sdelay $0x3  }
0x92: {  	_ =	strace s18  }
0x93: {  	s3 =	sld [smem:$0x3FFC];
	_ =	sdelay $0x3  }
0x94: {  	_ =	strace s3  }
0x95: {  	s3 =	sld [smem:$0x3FFD];
	_ =	sdelay $0x3  }
0x96: {  	_ =	strace s3  }
0x97: {  	_ =	strace $0x8FFFFFFF  }
0x98: {  	s19 =	sld [smem:$0x3FDB];
	_ =	sdelay $0x1  }
0x99: {  	s4 =	simm.s32 $_scs_section_size  }
0x9a: {  	s5 =	simm.s32 $_size__tile_overlayer_lowered;
	s6 =	simm.s32 $_tile_overlayer_lowered  }
0x9b: {  	s22 =	simm.s32 $0x1BFF;
	s21 =	sshll.u32 s6, $0x1;
	s3 =	sadd.s32 s4, s19  }
0x9c: {  	s7 =	simm.s32 $0x0;
	s20 =	sshll.u32 s5, $0x1;
	s5 =	sadd.s32 s21, s3  }
0x9d: {  	[timem:s7], [sflag:s22] =	dma.local [hbm:s5], s20  }
0x9e: {  	_ =	swait.ge [sflag:s22], s20  }
0x9f: {  	s4 =	ssub.s32 $0x0, s20;
	[sflag:s22] =	ssyncset.done $0x0  }
0xa0: {  	[sflag:s22] =	ssyncadd.s32 s4;
	_ =	sdelay $0x1  }
0xa1: {  	s23 =	simm.s32 $0x1B8B  }
0xa2: {  	_ =	swait.ge [sflag:s23], $0x1  }
0xa3: {  	[sflag:s23] =	ssyncset.done $0x0  }
0xa4: {  	s25 =	simm.s32 $0x1B8E;
	s24 =	sld [smem:$0x3FFE];
	[sflag:s23] =	ssyncadd.s32 $0xFFFFFFFF  }
0xa5: {  	s26 =	simm.s32 $execute0_lowered;
	[smem:$0x3FD2] =	sst s25  }
0xa6: {  	s5 =	sshll.u32 s26, $0x1;
	_ =	strace $0x80000046;
	[dreg:$0x1] =	wrdreg $0xFFFFFFFF  }
0xa7: {  	s28 =	simm.s32 $_size_execute0_lowered;
	s3 =	sadd.s32 s3, s5;
	[dreg:$0x0] =	wrdreg $0x0  }
0xa8: {  	s5 =	sshll.u32 s28, $0x1;
	[dreg:$0x2] =	wrdreg s3  }
0xa9: {  	[dreg:$0x3] =	wrdreg s5  }
0xaa: {  	[dreg:$0x4] =	wrdreg $0xC0  }
0xab: {  	_ =	task [dreg:s7], $0x5FFFF  }
0xac: {  	[dreg:$0x1] =	wrdreg $0xFFFFFFFF  }
0xad: {  	[dreg:$0x0] =	wrdreg $0x60  }
0xae: {  	[dreg:$0x2] =	wrdreg s24  }
0xaf: {  	[dreg:$0x3] =	wrdreg s2  }
0xb0: {  	[dreg:$0x4] =	wrdreg $0x9  }
0xb1: {  	_ =	task.clear_ibuf [dreg:s7], $0x5FFFF;
	_ =	strace $0x90000046  }
0xb2: {  	s29 =	simm.s32 $0x9;
	_ =	strace $0x80000048  }
0xb3: {  	_ =	swait.ge [sflag:s29], $0x1  }
0xb4: {  	[sflag:s29] =	ssyncadd.s32 $0xFFFFFFFF  }
0xb5: {  	_ =	strace $0x90000048  }
0xb6: {  	_ =	sfence  }
0xb7: {  	s30 =	sld [smem:$0x0];
	_ =	sdelay $0x2  }
0xb8: {  	s31 =	sshll.u32 s1, $0xD;
	s1 =	sshrl.u32 s1, $0x2  }
0xb9: {  	s3 =	sand.u32 $0x4000, s31;
	s1 =	sadd.s32 s1, s30  }
0xba: {  	s0 =	sor.u32 s3, s0;
	s1 =	sshll.u32 s1, $0x11  }
0xbb: {  	s0 =	sor.u32 s1, s0  }
0xbc: {  	s0 =	sadd.s32 $0x8F2B, s0  }
0xbd: {  	[sflag:s0] =	ssyncadd.remote.s32 $0x1  }
0xbe: {  	_ =	sfence.sel $0xFFFF  }
0xbf: {  	[dreg:$0x0] =	wrdreg $0xFFFFFFFF;
	(pc) =	sbr.abs _section_cstart, $3  }
0xc0: {  	[dreg:$0x1] =	wrdreg $0xFFFFFFFF  }
0xc1: {  	_ =	task.clear_ibuf [dreg:s7], $0x2FFFF;
	_ =	strace $0x9FFFFFFF  }
0xc2: {  	(tm) =	ssettm $0x7FFFFFFF  }
0xc3: {  	_ =	shalt  }
tec
execute0_lowered:
.L_overlay_start_1:
0x0: {  	(tag) =	ssettag $0x1  }
0x1: {  	s5 =	rddreg [dreg:$0x0]  }
0x2: {  	s2 =	rddreg [dreg:$0x1]  }
0x3: {  	s0 =	rddreg [dreg:$0x2];
	s4 =	srdreg.scid  }
0x4: {  	s1 =	stileid.u32;
	s3 =	simm.s32 $0x0;
	s9 =	simm.s32 $0x1  }
0x5: {  	s10 =	simm.s32 $0x10000;
	s11 =	simm.s32 $0x2;
	s12 =	simm.s32 $0x16800  }
0x6: {  	s13 =	simm.s32 $0x3;
	s14 =	simm.s32 $0x4;
	s15 =	simm.s32 $0x0  }
0x7: {  	s4 =	sand.u32 $0x1, s4;
	s6 =	sshll.u32 s1, $0x1;
	[smem:$0x7FF] =	sst s3  }
0x8: {  	v0 =	vlaneseq.u32;
	s6 =	sor.u32 s4, s6;
	_ =	strace $0x80000047;
	s8 =	ssub.s32 $0x2, s4  }
0x9: {  	v0 =	vmul.u32 $0x186A0, v0;
	s4 =	sadd.s32 $0x27ACA00, s5;
	s7 =	sshll.u32 s6, $0xD;
	s31 =	sshrl.u32 s8, $0x1  }
0xa: {  	s7 =	sadd.s32 s7, s5;
	s8 =	ssub.s32 s8, s31;
	s5 =	smul.u32 $0x3400, s6  }
0xb: {  	vm0 =	vmmov $0xffff;
	v1 =	vadd.s32 $0xF4240, v0;
	s6 =	sadd.s32 $0x600, s7;
	s7 =	smax.u32 s8, $0x1;
	s8 =	simm.s32 $0x5  }
.LBB2_1:
0xc: {  	[tilespmem:s3], [sflag:$0x5] =	stream.linear.gather [hbm4b:s6+s3], $0x10000, $0x38;
	[tilespmem:$0x1D000] =	vst v63  }
0xd: {  	_ =	swait.ge [sflag:s8], $0x10000  }
0xe: {  	s16 =	simm.s32 $0x2000;
	[sflag:s8] =	ssyncset.done $0x0  }
0xf: {  	s17 =	simm.s32 $0x0;
	s18 =	simm.s32 $0x0;
	[sflag:s8] =	ssyncadd.s32 $0xFFFF0000  }
.LBB2_2:
0x10: {  	p0 =	seq.s32 s18, $0x0  }
0x11: {  	s19 =	simm.s32 @!p0 $0x3  }
0x12: {  	_ =	swait.ge @!p0 [sflag:s19], $0x6800  }
0x13: {  	v2 =	vmov s17;
	[sflag:s19] =	ssyncset.done @!p0 $0x0  }
0x14: {  	[sflag:s19] =	ssyncadd.s32 @!p0 $0xFFFF9800;
	s19 =	simm.s32 @!p0 $0x4  }
0x15: {  	_ =	swait.ge @!p0 [sflag:s19], $0x6800  }
0x16: {  	[sflag:s19] =	ssyncset.done @!p0 $0x0  }
0x17: {  	s20 =	simm.s32 $0x0;
	[sflag:s19] =	ssyncadd.s32 @!p0 $0xFFFF9800  }
0x18: {  	v3 =	vld.idx.msk [tilespmem:v2+s20+$0x0 ss:$0x1], $0xffff;
	_ =	sdelay $0x1  }
0x19: {  	v4 =	vld.idx.msk [tilespmem:v2+s20+$0xA ss:$0x1], $0xffff;
	_ =	sdelay $0x2  }
0x1a: {  	v3 =	vadd.s32 v0, v3;
	_ =	sdelay $0x1  }
0x1b: {  	v4 =	vadd.s32 v1, v4;
	_ =	sdelay $0x1  }
0x1c: {  	s21 =	simm.s32 $0x0;
	s31 =	simm.s32 $0x10000  }
0x1d: {  	[tilespmem:s31], [sflag:$0x1] =	stream.indirect_vreg.gather [hbm4b:s4+s21], $0x10, v3, vm0, $0xb8;
	[tilespmem:$0x1D000] =	vst v63  }
0x1e: {  	s22 =	simm.s32 $0x100A0;
	s24 =	simm.s32 $0x80  }
0x1f: {  	[tilespmem:s22], [sflag:$0x1] =	stream.indirect_vreg.gather [hbm4b:s4+s21], $0x10, v4, vm0, $0xb8;
	[tilespmem:$0x1D000] =	vst v63  }
0x20: {  	s23 =	simm.s32 $0x400;
	s19 =	sshllo.u32 s18, $0x1;
	v3 =	vld.idx.msk [tilespmem:v2+s24+$0x0 ss:$0x1], $0xffff  }
.LBB2_3:
0x21: {  	p0 =	sne.s32 s23, $0x7E00  }
0x22: {  	v4 =	vld.idx.msk [tilespmem:v2+s24+$0xA ss:$0x1], $0xffff;
	_ =	sdelay $0x3  }
0x23: {  	v3 =	vadd.s32 v0, v3;
	_ =	sdelay $0x1  }
0x24: {  	v4 =	vadd.s32 v1, v4  }
0x25: {  	s22 =	sadd.s32 $0x1A0, s22  }
.Ltmp0:
0x26: {  	s24 =	sadd.s32 $0xFFFFFF60, s22;
	(pc) =	sbr.rel @p0 .LBB2_3-.Ltmp0, $4  }
0x27: {  	[tilespmem:s24], [sflag:$0x1] =	stream.indirect_vreg.gather [hbm4b:s4+s21], $0x10, v3, vm0, $0xb8;
	[tilespmem:$0x1D000] =	vst v63  }
0x28: {  	s24 =	sshra.s32 s23, $0x2  }
0x29: {  	[tilespmem:s22], [sflag:$0x1] =	stream.indirect_vreg.gather [hbm4b:s4+s21], $0x10, v4, vm0, $0xb8;
	[tilespmem:$0x1D000] =	vst v63  }
0x2a: {  	s23 =	sadd.s32 $0x200, s23;
	v3 =	vld.idx.msk [tilespmem:v2+s24+$0x0 ss:$0x1], $0xffff  }
0x2b: {  	_ =	sdelay $0x3  }
0x2c: {  	v2 =	vld.idx.msk [tilespmem:v2+s24+$0xA ss:$0x1], $0xffff;
	_ =	sdelay $0x2  }
0x2d: {  	v3 =	vadd.s32 v0, v3;
	_ =	sdelay $0x1  }
0x2e: {  	v4 =	vadd.s32 v1, v2  }
0x2f: {  	s22 =	sadd.s32 $0x1A0, s22;
	v2 =	vmov s16  }
0x30: {  	s23 =	sadd.s32 $0xFFFFFF60, s22  }
0x31: {  	[tilespmem:s23], [sflag:$0x1] =	stream.indirect_vreg.gather [hbm4b:s4+s21], $0x10, v3, vm0, $0xb8;
	[tilespmem:$0x1D000] =	vst v63  }
0x32: {  	_ = 	snop  }
0x33: {  	[tilespmem:s22], [sflag:$0x1] =	stream.indirect_vreg.gather [hbm4b:s4+s21], $0x10, v4, vm0, $0xb8;
	[tilespmem:$0x1D000] =	vst v63  }
0x34: {  	v3 =	vld.idx.msk [tilespmem:v2+s20+$0x0 ss:$0x1], $0xffff;
	_ =	sdelay $0x1  }
0x35: {  	v4 =	vld.idx.msk [tilespmem:v2+s20+$0xA ss:$0x1], $0xffff;
	_ =	sdelay $0x2  }
0x36: {  	v3 =	vadd.s32 v0, v3;
	_ =	sdelay $0x1  }
0x37: {  	v4 =	vadd.s32 v1, v4;
	_ =	sdelay $0x1  }
0x38: {  	s31 =	simm.s32 $0x16800  }
0x39: {  	[tilespmem:s31], [sflag:$0x2] =	stream.indirect_vreg.gather [hbm4b:s4+s3], $0x10, v3, vm0, $0xb8;
	[tilespmem:$0x1D000] =	vst v63  }
0x3a: {  	s22 =	simm.s32 $0x80;
	s20 =	simm.s32 $0x168A0  }
0x3b: {  	[tilespmem:s20], [sflag:$0x2] =	stream.indirect_vreg.gather [hbm4b:s4+s3], $0x10, v4, vm0, $0xb8;
	[tilespmem:$0x1D000] =	vst v63  }
0x3c: {  	s21 =	simm.s32 $0x400;
	v3 =	vld.idx.msk [tilespmem:v2+s22+$0x0 ss:$0x1], $0xffff  }
.LBB2_5:
0x3d: {  	p0 =	sne.s32 s21, $0x7E00  }
0x3e: {  	v4 =	vld.idx.msk [tilespmem:v2+s22+$0xA ss:$0x1], $0xffff;
	_ =	sdelay $0x3  }
0x3f: {  	v3 =	vadd.s32 v0, v3;
	_ =	sdelay $0x1  }
0x40: {  	v4 =	vadd.s32 v1, v4  }
0x41: {  	s20 =	sadd.s32 $0x1A0, s20  }
.Ltmp1:
0x42: {  	s22 =	sadd.s32 $0xFFFFFF60, s20;
	(pc) =	sbr.rel @p0 .LBB2_5-.Ltmp1, $4  }
0x43: {  	[tilespmem:s22], [sflag:$0x2] =	stream.indirect_vreg.gather [hbm4b:s4+s3], $0x10, v3, vm0, $0xb8;
	[tilespmem:$0x1D000] =	vst v63  }
0x44: {  	s22 =	sshra.s32 s21, $0x2  }
0x45: {  	[tilespmem:s20], [sflag:$0x2] =	stream.indirect_vreg.gather [hbm4b:s4+s3], $0x10, v4, vm0, $0xb8;
	[tilespmem:$0x1D000] =	vst v63  }
0x46: {  	s21 =	sadd.s32 $0x200, s21;
	v3 =	vld.idx.msk [tilespmem:v2+s22+$0x0 ss:$0x1], $0xffff  }
0x47: {  	_ =	sdelay $0x3  }
0x48: {  	v2 =	vld.idx.msk [tilespmem:v2+s22+$0xA ss:$0x1], $0xffff;
	_ =	sdelay $0x2  }
0x49: {  	v3 =	vadd.s32 v0, v3;
	_ =	sdelay $0x1  }
0x4a: {  	v2 =	vadd.s32 v1, v2  }
0x4b: {  	s20 =	sadd.s32 $0x1A0, s20  }
0x4c: {  	s21 =	sadd.s32 $0xFFFFFF60, s20  }
0x4d: {  	[tilespmem:s21], [sflag:$0x2] =	stream.indirect_vreg.gather [hbm4b:s4+s3], $0x10, v3, vm0, $0xb8;
	[tilespmem:$0x1D000] =	vst v63  }
0x4e: {  	_ = 	snop  }
0x4f: {  	[tilespmem:s20], [sflag:$0x2] =	stream.indirect_vreg.gather [hbm4b:s4+s3], $0x10, v2, vm0, $0xb8;
	[tilespmem:$0x1D000] =	vst v63  }
0x50: {  	_ =	swait.ge [sflag:s9], $0x100  }
0x51: {  	s20 =	simm.s32 $0x7F;
	[sflag:s9] =	ssyncset.done $0x0  }
.LBB2_7:
0x52: {  	p0 =	sne.s32 s20, $0x1;
	s20 =	sadd.s32 $0xFFFFFFFF, s20;
	[sflag:s9] =	ssyncadd.s32 $0xFFFFFF00  }
.Ltmp2:
0x53: {  	(pc) =	sbr.rel @p0 .LBB2_7-.Ltmp2, $3  }
0x54: {  	_ =	sdelay $0x1  }
0x55: {  	_ =	swait.ge [sflag:s9], $0x100  }
0x56: {  	[sflag:s9] =	ssyncset.done $0x0  }
0x57: {  	s20 =	smul.u32 $0xD00, s18;
	_ =	sdelay $0x1  }
0x58: {  	s20 =	sadd.s32 s5, s20  }
0x59: {  	s20 =	sshll.u32 s20, $0x1  }
0x5a: {  	[sflag:s9] =	ssyncadd.s32 $0xFFFFFF00;
	s20 =	sadd.s32 s2, s20  }
0x5b: {  	[hbm4b:s20+s3] =	stream.linear.scatter [tilespmem:s10], [sflag:$0x3], $0x6800, $0x38;
	[tilespmem:$0x1D000] =	vst v63  }
0x5c: {  	_ =	swait.ge [sflag:s11], $0x100  }
0x5d: {  	s20 =	simm.s32 $0x7F;
	[sflag:s11] =	ssyncset.done $0x0  }
.LBB2_9:
0x5e: {  	p0 =	sne.s32 s20, $0x1;
	s20 =	sadd.s32 $0xFFFFFFFF, s20;
	[sflag:s11] =	ssyncadd.s32 $0xFFFFFF00  }
.Ltmp3:
0x5f: {  	(pc) =	sbr.rel @p0 .LBB2_9-.Ltmp3, $3  }
0x60: {  	_ =	sdelay $0x1  }
0x61: {  	_ =	swait.ge [sflag:s11], $0x100  }
0x62: {  	[sflag:s11] =	ssyncset.done $0x0  }
0x63: {  	s19 =	smul.u32 $0x680, s19;
	s18 =	sadd.s32 $0x1, s18  }
0x64: {  	p0 =	sne.s32 s18, $0x4  }
.Ltmp4:
0x65: {  	s19 =	sadd.s32 s5, s19;
	(pc) =	sbr.rel @p0 .LBB2_2-.Ltmp4, $4  }
0x66: {  	s19 =	sshll.u32 s19, $0x1  }
0x67: {  	[sflag:s11] =	ssyncadd.s32 $0xFFFFFF00;
	s19 =	sand.u32 $0x1FFFFF00, s19  }
0x68: {  	s17 =	sadd.s32 $0x4000, s17;
	s16 =	sadd.s32 $0x4000, s16;
	s19 =	sadd.s32 s2, s19  }
0x69: {  	[hbm4b:s19+s3] =	stream.linear.scatter [tilespmem:s12], [sflag:$0x4], $0x6800, $0x38;
	[tilespmem:$0x1D000] =	vst v63  }
0x6a: {  	s15 =	sadd.s32 $0x1, s15  }
0x6b: {  	_ =	swait.ge [sflag:s13], $0x6800;
	p0 =	sne.s32 s15, s7  }
.Ltmp5:
0x6c: {  	[sflag:s13] =	ssyncset.done $0x0;
	(pc) =	sbr.rel @p0 .LBB2_1-.Ltmp5, $4  }
0x6d: {  	[sflag:s13] =	ssyncadd.s32 $0xFFFF9800  }
0x6e: {  	_ =	swait.ge [sflag:s14], $0x6800  }
0x6f: {  	[sflag:s14] =	ssyncset.done $0x0  }
0x70: {  	[sflag:s14] =	ssyncadd.s32 $0xFFFF9800  }
0x71: {  	_ =	sfence.sel $0x180000  }
0x72: {  	[bflag:$0x0] =	sbarrier.arrive $0xFFFF  }
0x73: {  	p0 =	sne.s32 s1, $0x0;
	_ =	strace $0x90000047  }
0x74: {  	s0 =	sadd.s32 @!p0 $0x100000, s0;
	[bflag:$0x2] =	sbarrier.arrive $0xFFFF  }
0x75: {  	[sflag:s0] =	ssyncadd.tile.s32 @!p0 $0x1;
	_ =	shalt  }
.Lfunc_end2:
_tile_overlayer_lowered:
.L_overlay_start_2:
0x76: {  	(tag) =	ssettag $0x2  }
0x77: {  	s0 =	rddreg [dreg:$0x0];
	s2 =	stileid.u32  }
0x78: {  	s1 =	rddreg [dreg:$0x1];
	p0 =	sne.s32 s2, $0x0  }
0x79: {  	s3 =	rddreg [dreg:$0x2];
	[bflag:$0x3] =	sbarrier.arrive $0xFFFF;
	s2 =	simm.s32 @!p0 $0x1C05  }
0x7a: {  	[timem:s3], [sflag:s2] =	dma.local @!p0 [hbm:s0], s1  }
0x7b: {  	s0 =	simm.s32 @!p0 $0x5  }
0x7c: {  	_ =	swait.ge @!p0 [sflag:s0], s1  }
0x7d: {  	s1 =	ssub.s32 @!p0 $0x0, s1;
	[sflag:s0] =	ssyncset.done @!p0 $0x0  }
0x7e: {  	[sflag:s0] =	ssyncadd.s32 @!p0 s1  }
0x7f: {  	[bflag:$0x3] =	sbarrier.arrive $0xFFFF  }
0x80: {  	_ =	shalt  }

</sc_bundles>
